<compile_context>
chip_gen: v7x
topology: tpu7x:2x2x1
jax: 0.10.2.dev20260603
libtpu: 0.0.44.dev20260713+nightly
codegen_flags: <defaults>
</compile_context>

<pallas_src>
import functools

import jax
import jax.numpy as jnp
from jax import lax
from jax.experimental import pallas as pl
from jax.experimental.pallas import tpu as pltpu
from jax.experimental.pallas import tpu_sc as plsc

B = 2048
K = 1024
D = 64
BLK = 256

_SC_INFO = plsc.get_sparse_core_info()
_NC = _SC_INFO.num_cores
_NS = _SC_INFO.num_subcores
_NW = _NC * _NS
_BPW = B // _NW


def _split_bf16(x):
    hi = x.astype(jnp.bfloat16)
    lo = (x - hi.astype(jnp.float32)).astype(jnp.bfloat16)
    return hi, lo


def _mm_t(a, b):
    return jax.lax.dot_general(
        a, b, (((1,), (1,)), ((), ())),
        preferred_element_type=jnp.float32)


def _argmin_block(ze_blk, embt_ref, idx_ref, ehi_ref, elo_ref, esq_ref):
    @pl.when(pl.program_id(0) == 0)
    def _prep():
        embt = embt_ref[...]
        ehi, elo = _split_bf16(embt)
        ehi_ref[...] = ehi
        elo_ref[...] = elo
        esq_ref[...] = jnp.sum(embt * embt, axis=1, keepdims=True)

    ze = ze_blk[...]
    ze_hi, ze_lo = _split_bf16(ze)
    dots = (_mm_t(ehi_ref[...], ze_hi)
            + (_mm_t(elo_ref[...], ze_hi) + _mm_t(ehi_ref[...], ze_lo)))
    scores = esq_ref[...] - 2.0 * dots
    mins = jnp.min(scores, axis=0, keepdims=True)
    row = jax.lax.broadcasted_iota(jnp.int32, scores.shape, 0)
    idx = jnp.min(jnp.where(scores == mins, row, D), axis=0, keepdims=True)
    idx_ref[...] = idx.reshape(1, 1, BLK)


def _tc_argmin(ze, embt):
    grid = (B // BLK,)
    return pl.pallas_call(
        _argmin_block,
        grid=grid,
        in_specs=[
            pl.BlockSpec((BLK, K), lambda i: (i, 0)),
            pl.BlockSpec((D, K), lambda i: (0, 0)),
        ],
        out_specs=pl.BlockSpec((1, 1, BLK), lambda i: (i, 0, 0)),
        out_shape=jax.ShapeDtypeStruct((B // BLK, 1, BLK), jnp.int32),
        scratch_shapes=[
            pltpu.VMEM((D, K), jnp.bfloat16),
            pltpu.VMEM((D, K), jnp.bfloat16),
            pltpu.VMEM((D, 1), jnp.float32),
        ],
        compiler_params=pltpu.CompilerParams(
            dimension_semantics=("arbitrary",)),
    )(ze, embt)


_NCH = 4
_CH = _BPW // _NCH


@functools.partial(
    pl.kernel,
    mesh=plsc.VectorSubcoreMesh(core_axis_name="c", subcore_axis_name="s"),
    out_type=jax.ShapeDtypeStruct((B, K), jnp.float32),
    scratch_types=[
        pltpu.VMEM((_BPW,), jnp.int32),
        pltpu.VMEM((_BPW, K), jnp.float32),
        [pltpu.SemaphoreType.DMA] * _NCH,
        [pltpu.SemaphoreType.DMA] * _NCH,
    ],
)
def _sc_gather(ze_hbm, idx_hbm, out_hbm, idx_v, rows_v, gsems, wsems):
    wid = lax.axis_index("s") * _NC + lax.axis_index("c")
    base = wid * _BPW
    pltpu.sync_copy(idx_hbm.at[pl.ds(base, _BPW)], idx_v)
    handles = []
    for i in range(_NCH):
        handles.append(pltpu.async_copy(
            ze_hbm.at[idx_v.at[pl.ds(i * _CH, _CH)]],
            rows_v.at[pl.ds(i * _CH, _CH)], gsems[i]))
    writes = []
    for i in range(_NCH):
        handles[i].wait()
        writes.append(pltpu.async_copy(
            rows_v.at[pl.ds(i * _CH, _CH)],
            out_hbm.at[pl.ds(base + i * _CH, _CH)], wsems[i]))
    for w in writes:
        w.wait()


@functools.partial(jax.jit, static_argnames=())
def kernel(ze, emb):
    idx = _tc_argmin(ze, emb.T).reshape(B)
    return _sc_gather(ze, idx)

# --- scband reference (transcript-rebuilt; emitter-appended) ---
"""Pipeline reference for scband-vq-25357486916144 (READ-ONLY COPY).

The authoritative reference and input builder live on the scoring server;
editing this copy changes nothing except your own understanding.
"""

import jax, jax.numpy as jnp
import numpy as np

B = 2048
K = 1024  # n_embed_vecs
D = 64    # n_latent_dim


def setup_inputs(seed: int = 0) -> dict:
    key = jax.random.key(seed)
    k1, k2 = jax.random.split(key)
    ze = jax.random.normal(k1, (B, K), dtype=jnp.float32)
    # 'emb' buffer of the module, shape (k, d) = (n_embed_vecs, n_latent_dim)
    emb = jax.random.normal(k2, (K, D), dtype=jnp.float32)
    return {"ze": ze, "emb": emb}


def reference(ze, emb):
    # sg_emb = StopGrad(emb)
    sg_emb = jax.lax.stop_gradient(emb)
    # l2n_sq = ((ze.unsqueeze(2) - sg_emb) ** 2).sum(dim=1)
    # ze: (B, K) -> (B, K, 1); emb: (K, D) -> broadcast (B, K, D); sum over dim 1 -> (B, D)
    diff = ze[:, :, None] - sg_emb
    l2n_sq = jnp.sum(diff * diff, axis=1)
    # l2norm_min, l2norm_min_ind = l2n_sq.min(dim=1)
    l2norm_min_ind = jnp.argmin(l2n_sq, axis=1)  # (B,), values in [0, D)
    # zq = torch.index_select(ze, 0, l2norm_min_ind)
    zq = jnp.take(ze, l2norm_min_ind, axis=0)  # (B, K)
    # zq_rg, _ = ReplaceGrad(zq, ze): forward value is zq; gradient routed to ze
    zq_rg = ze + jax.lax.stop_gradient(zq - ze)
    return zq_rg

if __name__ == "__main__":
    import jax
    _d = setup_inputs()
    print(jax.jit(kernel)(*tuple(_d.values())))

</pallas_src>

<mosaic_0001>
#map = affine_map<(d0, d1) -> (0, 0)>
#map1 = affine_map<(d0, d1) -> (0)>
module attributes {stable_mosaic.version = 14 : i64} {
  func.func @_sc_gather(%arg0: i32, %arg1: i32, %arg2: memref<2048x1024xf32, #tpu.memory_space<hbm>>, %arg3: memref<2048xi32, #tpu.memory_space<hbm>>, %arg4: memref<2048x1024xf32, #tpu.memory_space<hbm>>, %arg5: memref<64xi32, #tpu.memory_space<vmem>>, %arg6: memref<64x1024xf32, #tpu.memory_space<vmem>>, %arg7: memref<!tpu.dma_semaphore, #tpu.memory_space<semaphore_mem>>, %arg8: memref<!tpu.dma_semaphore, #tpu.memory_space<semaphore_mem>>, %arg9: memref<!tpu.dma_semaphore, #tpu.memory_space<semaphore_mem>>, %arg10: memref<!tpu.dma_semaphore, #tpu.memory_space<semaphore_mem>>, %arg11: memref<!tpu.dma_semaphore, #tpu.memory_space<semaphore_mem>>, %arg12: memref<!tpu.dma_semaphore, #tpu.memory_space<semaphore_mem>>, %arg13: memref<!tpu.dma_semaphore, #tpu.memory_space<semaphore_mem>>, %arg14: memref<!tpu.dma_semaphore, #tpu.memory_space<semaphore_mem>>) attributes {dimension_semantics = [#tpu.dimension_semantics<core_parallel>, #tpu.dimension_semantics<subcore_parallel>], iteration_bounds = array<i64: 2, 16>, scalar_prefetch = 0 : i64, scratch_operands = 10 : i64, tpu.core_type = #tpu.core_type<sc_vector_subcore>, window_params = [{transform_indices = #map}, {transform_indices = #map1}, {transform_indices = #map}]} {
    %mul3A = arith.constant 2 : i32
    %mul3A_0 = arith.muli %arg1, %mul3A : i32
    %add3A = arith.addi %mul3A_0, %arg0 : i32
    %mul3A_1 = arith.constant 64 : i32
    %mul3A_2 = arith.muli %add3A, %mul3A_1 : i32
    "tpu.region"() ({
      %run_scoped3A = tpu.sem_alloc : memref<!tpu.dma_semaphore, #tpu.memory_space<semaphore_mem>>
      %dma_start3A_153 = tpu.memref_slice %arg3[%mul3A_2] : memref<2048xi32, #tpu.memory_space<hbm>> -> memref<64xi32, #tpu.memory_space<hbm>>
      %dma_start3A_154 = tpu.memref_slice %arg3[%mul3A_2] : memref<2048xi32, #tpu.memory_space<hbm>> -> memref<64xi32, #tpu.memory_space<hbm>>
      tpu.enqueue_dma source(%dma_start3A_154 : memref<64xi32, #tpu.memory_space<hbm>>) target(%arg5 : memref<64xi32, #tpu.memory_space<vmem>>) target_semaphore(%run_scoped3A : memref<!tpu.dma_semaphore, #tpu.memory_space<semaphore_mem>>)
      %dma_wait3A_155 = tpu.memref_slice %arg3[%mul3A_2] : memref<2048xi32, #tpu.memory_space<hbm>> -> memref<64xi32, #tpu.memory_space<hbm>>
      %dma_wait3A_156 = tpu.memref_slice %arg3[%mul3A_2] : memref<2048xi32, #tpu.memory_space<hbm>> -> memref<64xi32, #tpu.memory_space<hbm>>
      tpu.wait_dma2 semaphore(%run_scoped3A : memref<!tpu.dma_semaphore, #tpu.memory_space<semaphore_mem>>) src(%dma_wait3A_156 : memref<64xi32, #tpu.memory_space<hbm>>) dst(%arg5 : memref<64xi32, #tpu.memory_space<vmem>>)
      tpu.yield
    }) : () -> ()
    %dma_start3A = arith.constant 0 : i32
    %dma_start3A_3 = arith.constant 0 : i32
    %dma_start3A_4 = tpu.memref_slice %arg6[%dma_start3A, %dma_start3A_3] : memref<64x1024xf32, #tpu.memory_space<vmem>> -> memref<16x1024xf32, #tpu.memory_space<vmem>>
    %dma_start3A_5 = arith.constant 0 : i32
    %dma_start3A_6 = tpu.memref_slice %arg5[%dma_start3A_5] : memref<64xi32, #tpu.memory_space<vmem>> -> memref<16xi32, #tpu.memory_space<vmem>>
    %dma_start3A_7 = arith.constant 0 : i32
    %dma_start3A_8 = arith.constant 0 : i32
    %dma_start3A_9 = tpu.memref_slice %arg2[%dma_start3A_7, %dma_start3A_8] : memref<2048x1024xf32, #tpu.memory_space<hbm>> -> memref<2048x1024xf32, #tpu.memory_space<hbm>>
    tpu.enqueue_indirect_dma source(%dma_start3A_9 : memref<2048x1024xf32, #tpu.memory_space<hbm>>) target(%dma_start3A_4 : memref<16x1024xf32, #tpu.memory_space<vmem>>) offsets(%dma_start3A_6 : memref<16xi32, #tpu.memory_space<vmem>>) semaphore(%arg7 : memref<!tpu.dma_semaphore, #tpu.memory_space<semaphore_mem>>)
    %dma_start3A_10 = arith.constant 16 : i32
    %dma_start3A_11 = arith.constant 0 : i32
    %dma_start3A_12 = tpu.memref_slice %arg6[%dma_start3A_10, %dma_start3A_11] : memref<64x1024xf32, #tpu.memory_space<vmem>> -> memref<16x1024xf32, #tpu.memory_space<vmem>>
    %dma_start3A_13 = arith.constant 16 : i32
    %dma_start3A_14 = tpu.memref_slice %arg5[%dma_start3A_13] : memref<64xi32, #tpu.memory_space<vmem>> -> memref<16xi32, #tpu.memory_space<vmem>>
    %dma_start3A_15 = arith.constant 0 : i32
    %dma_start3A_16 = arith.constant 0 : i32
    %dma_start3A_17 = tpu.memref_slice %arg2[%dma_start3A_15, %dma_start3A_16] : memref<2048x1024xf32, #tpu.memory_space<hbm>> -> memref<2048x1024xf32, #tpu.memory_space<hbm>>
    tpu.enqueue_indirect_dma source(%dma_start3A_17 : memref<2048x1024xf32, #tpu.memory_space<hbm>>) target(%dma_start3A_12 : memref<16x1024xf32, #tpu.memory_space<vmem>>) offsets(%dma_start3A_14 : memref<16xi32, #tpu.memory_space<vmem>>) semaphore(%arg8 : memref<!tpu.dma_semaphore, #tpu.memory_space<semaphore_mem>>)
    %dma_start3A_18 = arith.constant 32 : i32
    %dma_start3A_19 = arith.constant 0 : i32
    %dma_start3A_20 = tpu.memref_slice %arg6[%dma_start3A_18, %dma_start3A_19] : memref<64x1024xf32, #tpu.memory_space<vmem>> -> memref<16x1024xf32, #tpu.memory_space<vmem>>
    %dma_start3A_21 = arith.constant 32 : i32
    %dma_start3A_22 = tpu.memref_slice %arg5[%dma_start3A_21] : memref<64xi32, #tpu.memory_space<vmem>> -> memref<16xi32, #tpu.memory_space<vmem>>
    %dma_start3A_23 = arith.constant 0 : i32
    %dma_start3A_24 = arith.constant 0 : i32
    %dma_start3A_25 = tpu.memref_slice %arg2[%dma_start3A_23, %dma_start3A_24] : memref<2048x1024xf32, #tpu.memory_space<hbm>> -> memref<2048x1024xf32, #tpu.memory_space<hbm>>
    tpu.enqueue_indirect_dma source(%dma_start3A_25 : memref<2048x1024xf32, #tpu.memory_space<hbm>>) target(%dma_start3A_20 : memref<16x1024xf32, #tpu.memory_space<vmem>>) offsets(%dma_start3A_22 : memref<16xi32, #tpu.memory_space<vmem>>) semaphore(%arg9 : memref<!tpu.dma_semaphore, #tpu.memory_space<semaphore_mem>>)
    %dma_start3A_26 = arith.constant 48 : i32
    %dma_start3A_27 = arith.constant 0 : i32
    %dma_start3A_28 = tpu.memref_slice %arg6[%dma_start3A_26, %dma_start3A_27] : memref<64x1024xf32, #tpu.memory_space<vmem>> -> memref<16x1024xf32, #tpu.memory_space<vmem>>
    %dma_start3A_29 = arith.constant 48 : i32
    %dma_start3A_30 = tpu.memref_slice %arg5[%dma_start3A_29] : memref<64xi32, #tpu.memory_space<vmem>> -> memref<16xi32, #tpu.memory_space<vmem>>
    %dma_start3A_31 = arith.constant 0 : i32
    %dma_start3A_32 = arith.constant 0 : i32
    %dma_start3A_33 = tpu.memref_slice %arg2[%dma_start3A_31, %dma_start3A_32] : memref<2048x1024xf32, #tpu.memory_space<hbm>> -> memref<2048x1024xf32, #tpu.memory_space<hbm>>
    tpu.enqueue_indirect_dma source(%dma_start3A_33 : memref<2048x1024xf32, #tpu.memory_space<hbm>>) target(%dma_start3A_28 : memref<16x1024xf32, #tpu.memory_space<vmem>>) offsets(%dma_start3A_30 : memref<16xi32, #tpu.memory_space<vmem>>) semaphore(%arg10 : memref<!tpu.dma_semaphore, #tpu.memory_space<semaphore_mem>>)
    %dma_wait3A = arith.constant 0 : i32
    %dma_wait3A_34 = arith.constant 0 : i32
    %dma_wait3A_35 = tpu.memref_slice %arg6[%dma_wait3A, %dma_wait3A_34] : memref<64x1024xf32, #tpu.memory_space<vmem>> -> memref<16x1024xf32, #tpu.memory_space<vmem>>
    %dma_wait3A_36 = arith.constant 0 : i32
    %dma_wait3A_37 = tpu.memref_slice %arg5[%dma_wait3A_36] : memref<64xi32, #tpu.memory_space<vmem>> -> memref<16xi32, #tpu.memory_space<vmem>>
    %dma_wait3A_38 = arith.constant 0 : i32
    %dma_wait3A_39 = arith.constant 0 : i32
    %dma_wait3A_40 = tpu.memref_slice %arg2[%dma_wait3A_38, %dma_wait3A_39] : memref<2048x1024xf32, #tpu.memory_space<hbm>> -> memref<2048x1024xf32, #tpu.memory_space<hbm>>
    tpu.wait_indirect_dma semaphore(%arg7 : memref<!tpu.dma_semaphore, #tpu.memory_space<semaphore_mem>>) src(%dma_wait3A_40 : memref<2048x1024xf32, #tpu.memory_space<hbm>>) dst(%dma_wait3A_35 : memref<16x1024xf32, #tpu.memory_space<vmem>>)
    %add3A_41 = arith.constant 0 : i32
    %add3A_42 = arith.addi %mul3A_2, %add3A_41 : i32
    %dma_start3A_43 = arith.constant 0 : i32
    %dma_start3A_44 = arith.constant 0 : i32
    %dma_start3A_45 = tpu.memref_slice %arg6[%dma_start3A_43, %dma_start3A_44] : memref<64x1024xf32, #tpu.memory_space<vmem>> -> memref<16x1024xf32, #tpu.memory_space<vmem>>
    %dma_start3A_46 = arith.constant 0 : i32
    %dma_start3A_47 = tpu.memref_slice %arg4[%add3A_42, %dma_start3A_46] : memref<2048x1024xf32, #tpu.memory_space<hbm>> -> memref<16x1024xf32, #tpu.memory_space<hbm>>
    %dma_start3A_48 = arith.constant 0 : i32
    %dma_start3A_49 = tpu.memref_slice %arg4[%add3A_42, %dma_start3A_48] : memref<2048x1024xf32, #tpu.memory_space<hbm>> -> memref<16x1024xf32, #tpu.memory_space<hbm>>
    %dma_start3A_50 = arith.constant 0 : i32
    %dma_start3A_51 = arith.constant 0 : i32
    %dma_start3A_52 = tpu.memref_slice %arg6[%dma_start3A_50, %dma_start3A_51] : memref<64x1024xf32, #tpu.memory_space<vmem>> -> memref<16x1024xf32, #tpu.memory_space<vmem>>
    tpu.enqueue_dma source(%dma_start3A_52 : memref<16x1024xf32, #tpu.memory_space<vmem>>) target(%dma_start3A_49 : memref<16x1024xf32, #tpu.memory_space<hbm>>) target_semaphore(%arg11 : memref<!tpu.dma_semaphore, #tpu.memory_space<semaphore_mem>>)
    %dma_wait3A_53 = arith.constant 16 : i32
    %dma_wait3A_54 = arith.constant 0 : i32
    %dma_wait3A_55 = tpu.memref_slice %arg6[%dma_wait3A_53, %dma_wait3A_54] : memref<64x1024xf32, #tpu.memory_space<vmem>> -> memref<16x1024xf32, #tpu.memory_space<vmem>>
    %dma_wait3A_56 = arith.constant 16 : i32
    %dma_wait3A_57 = tpu.memref_slice %arg5[%dma_wait3A_56] : memref<64xi32, #tpu.memory_space<vmem>> -> memref<16xi32, #tpu.memory_space<vmem>>
    %dma_wait3A_58 = arith.constant 0 : i32
    %dma_wait3A_59 = arith.constant 0 : i32
    %dma_wait3A_60 = tpu.memref_slice %arg2[%dma_wait3A_58, %dma_wait3A_59] : memref<2048x1024xf32, #tpu.memory_space<hbm>> -> memref<2048x1024xf32, #tpu.memory_space<hbm>>
    tpu.wait_indirect_dma semaphore(%arg8 : memref<!tpu.dma_semaphore, #tpu.memory_space<semaphore_mem>>) src(%dma_wait3A_60 : memref<2048x1024xf32, #tpu.memory_space<hbm>>) dst(%dma_wait3A_55 : memref<16x1024xf32, #tpu.memory_space<vmem>>)
    %add3A_61 = arith.constant 16 : i32
    %add3A_62 = arith.addi %mul3A_2, %add3A_61 : i32
    %dma_start3A_63 = arith.constant 16 : i32
    %dma_start3A_64 = arith.constant 0 : i32
    %dma_start3A_65 = tpu.memref_slice %arg6[%dma_start3A_63, %dma_start3A_64] : memref<64x1024xf32, #tpu.memory_space<vmem>> -> memref<16x1024xf32, #tpu.memory_space<vmem>>
    %dma_start3A_66 = arith.constant 0 : i32
    %dma_start3A_67 = tpu.memref_slice %arg4[%add3A_62, %dma_start3A_66] : memref<2048x1024xf32, #tpu.memory_space<hbm>> -> memref<16x1024xf32, #tpu.memory_space<hbm>>
    %dma_start3A_68 = arith.constant 0 : i32
    %dma_start3A_69 = tpu.memref_slice %arg4[%add3A_62, %dma_start3A_68] : memref<2048x1024xf32, #tpu.memory_space<hbm>> -> memref<16x1024xf32, #tpu.memory_space<hbm>>
    %dma_start3A_70 = arith.constant 16 : i32
    %dma_start3A_71 = arith.constant 0 : i32
    %dma_start3A_72 = tpu.memref_slice %arg6[%dma_start3A_70, %dma_start3A_71] : memref<64x1024xf32, #tpu.memory_space<vmem>> -> memref<16x1024xf32, #tpu.memory_space<vmem>>
    tpu.enqueue_dma source(%dma_start3A_72 : memref<16x1024xf32, #tpu.memory_space<vmem>>) target(%dma_start3A_69 : memref<16x1024xf32, #tpu.memory_space<hbm>>) target_semaphore(%arg12 : memref<!tpu.dma_semaphore, #tpu.memory_space<semaphore_mem>>)
    %dma_wait3A_73 = arith.constant 32 : i32
    %dma_wait3A_74 = arith.constant 0 : i32
    %dma_wait3A_75 = tpu.memref_slice %arg6[%dma_wait3A_73, %dma_wait3A_74] : memref<64x1024xf32, #tpu.memory_space<vmem>> -> memref<16x1024xf32, #tpu.memory_space<vmem>>
    %dma_wait3A_76 = arith.constant 32 : i32
    %dma_wait3A_77 = tpu.memref_slice %arg5[%dma_wait3A_76] : memref<64xi32, #tpu.memory_space<vmem>> -> memref<16xi32, #tpu.memory_space<vmem>>
    %dma_wait3A_78 = arith.constant 0 : i32
    %dma_wait3A_79 = arith.constant 0 : i32
    %dma_wait3A_80 = tpu.memref_slice %arg2[%dma_wait3A_78, %dma_wait3A_79] : memref<2048x1024xf32, #tpu.memory_space<hbm>> -> memref<2048x1024xf32, #tpu.memory_space<hbm>>
    tpu.wait_indirect_dma semaphore(%arg9 : memref<!tpu.dma_semaphore, #tpu.memory_space<semaphore_mem>>) src(%dma_wait3A_80 : memref<2048x1024xf32, #tpu.memory_space<hbm>>) dst(%dma_wait3A_75 : memref<16x1024xf32, #tpu.memory_space<vmem>>)
    %add3A_81 = arith.constant 32 : i32
    %add3A_82 = arith.addi %mul3A_2, %add3A_81 : i32
    %dma_start3A_83 = arith.constant 32 : i32
    %dma_start3A_84 = arith.constant 0 : i32
    %dma_start3A_85 = tpu.memref_slice %arg6[%dma_start3A_83, %dma_start3A_84] : memref<64x1024xf32, #tpu.memory_space<vmem>> -> memref<16x1024xf32, #tpu.memory_space<vmem>>
    %dma_start3A_86 = arith.constant 0 : i32
    %dma_start3A_87 = tpu.memref_slice %arg4[%add3A_82, %dma_start3A_86] : memref<2048x1024xf32, #tpu.memory_space<hbm>> -> memref<16x1024xf32, #tpu.memory_space<hbm>>
    %dma_start3A_88 = arith.constant 0 : i32
    %dma_start3A_89 = tpu.memref_slice %arg4[%add3A_82, %dma_start3A_88] : memref<2048x1024xf32, #tpu.memory_space<hbm>> -> memref<16x1024xf32, #tpu.memory_space<hbm>>
    %dma_start3A_90 = arith.constant 32 : i32
    %dma_start3A_91 = arith.constant 0 : i32
    %dma_start3A_92 = tpu.memref_slice %arg6[%dma_start3A_90, %dma_start3A_91] : memref<64x1024xf32, #tpu.memory_space<vmem>> -> memref<16x1024xf32, #tpu.memory_space<vmem>>
    tpu.enqueue_dma source(%dma_start3A_92 : memref<16x1024xf32, #tpu.memory_space<vmem>>) target(%dma_start3A_89 : memref<16x1024xf32, #tpu.memory_space<hbm>>) target_semaphore(%arg13 : memref<!tpu.dma_semaphore, #tpu.memory_space<semaphore_mem>>)
    %dma_wait3A_93 = arith.constant 48 : i32
    %dma_wait3A_94 = arith.constant 0 : i32
    %dma_wait3A_95 = tpu.memref_slice %arg6[%dma_wait3A_93, %dma_wait3A_94] : memref<64x1024xf32, #tpu.memory_space<vmem>> -> memref<16x1024xf32, #tpu.memory_space<vmem>>
    %dma_wait3A_96 = arith.constant 48 : i32
    %dma_wait3A_97 = tpu.memref_slice %arg5[%dma_wait3A_96] : memref<64xi32, #tpu.memory_space<vmem>> -> memref<16xi32, #tpu.memory_space<vmem>>
    %dma_wait3A_98 = arith.constant 0 : i32
    %dma_wait3A_99 = arith.constant 0 : i32
    %dma_wait3A_100 = tpu.memref_slice %arg2[%dma_wait3A_98, %dma_wait3A_99] : memref<2048x1024xf32, #tpu.memory_space<hbm>> -> memref<2048x1024xf32, #tpu.memory_space<hbm>>
    tpu.wait_indirect_dma semaphore(%arg10 : memref<!tpu.dma_semaphore, #tpu.memory_space<semaphore_mem>>) src(%dma_wait3A_100 : memref<2048x1024xf32, #tpu.memory_space<hbm>>) dst(%dma_wait3A_95 : memref<16x1024xf32, #tpu.memory_space<vmem>>)
    %add3A_101 = arith.constant 48 : i32
    %add3A_102 = arith.addi %mul3A_2, %add3A_101 : i32
    %dma_start3A_103 = arith.constant 48 : i32
    %dma_start3A_104 = arith.constant 0 : i32
    %dma_start3A_105 = tpu.memref_slice %arg6[%dma_start3A_103, %dma_start3A_104] : memref<64x1024xf32, #tpu.memory_space<vmem>> -> memref<16x1024xf32, #tpu.memory_space<vmem>>
    %dma_start3A_106 = arith.constant 0 : i32
    %dma_start3A_107 = tpu.memref_slice %arg4[%add3A_102, %dma_start3A_106] : memref<2048x1024xf32, #tpu.memory_space<hbm>> -> memref<16x1024xf32, #tpu.memory_space<hbm>>
    %dma_start3A_108 = arith.constant 0 : i32
    %dma_start3A_109 = tpu.memref_slice %arg4[%add3A_102, %dma_start3A_108] : memref<2048x1024xf32, #tpu.memory_space<hbm>> -> memref<16x1024xf32, #tpu.memory_space<hbm>>
    %dma_start3A_110 = arith.constant 48 : i32
    %dma_start3A_111 = arith.constant 0 : i32
    %dma_start3A_112 = tpu.memref_slice %arg6[%dma_start3A_110, %dma_start3A_111] : memref<64x1024xf32, #tpu.memory_space<vmem>> -> memref<16x1024xf32, #tpu.memory_space<vmem>>
    tpu.enqueue_dma source(%dma_start3A_112 : memref<16x1024xf32, #tpu.memory_space<vmem>>) target(%dma_start3A_109 : memref<16x1024xf32, #tpu.memory_space<hbm>>) target_semaphore(%arg14 : memref<!tpu.dma_semaphore, #tpu.memory_space<semaphore_mem>>)
    %dma_wait3A_113 = arith.constant 0 : i32
    %dma_wait3A_114 = arith.constant 0 : i32
    %dma_wait3A_115 = tpu.memref_slice %arg6[%dma_wait3A_113, %dma_wait3A_114] : memref<64x1024xf32, #tpu.memory_space<vmem>> -> memref<16x1024xf32, #tpu.memory_space<vmem>>
    %dma_wait3A_116 = arith.constant 0 : i32
    %dma_wait3A_117 = tpu.memref_slice %arg4[%add3A_42, %dma_wait3A_116] : memref<2048x1024xf32, #tpu.memory_space<hbm>> -> memref<16x1024xf32, #tpu.memory_space<hbm>>
    %dma_wait3A_118 = arith.constant 0 : i32
    %dma_wait3A_119 = tpu.memref_slice %arg4[%add3A_42, %dma_wait3A_118] : memref<2048x1024xf32, #tpu.memory_space<hbm>> -> memref<16x1024xf32, #tpu.memory_space<hbm>>
    %dma_wait3A_120 = arith.constant 0 : i32
    %dma_wait3A_121 = arith.constant 0 : i32
    %dma_wait3A_122 = tpu.memref_slice %arg6[%dma_wait3A_120, %dma_wait3A_121] : memref<64x1024xf32, #tpu.memory_space<vmem>> -> memref<16x1024xf32, #tpu.memory_space<vmem>>
    tpu.wait_dma2 semaphore(%arg11 : memref<!tpu.dma_semaphore, #tpu.memory_space<semaphore_mem>>) src(%dma_wait3A_122 : memref<16x1024xf32, #tpu.memory_space<vmem>>) dst(%dma_wait3A_119 : memref<16x1024xf32, #tpu.memory_space<hbm>>)
    %dma_wait3A_123 = arith.constant 16 : i32
    %dma_wait3A_124 = arith.constant 0 : i32
    %dma_wait3A_125 = tpu.memref_slice %arg6[%dma_wait3A_123, %dma_wait3A_124] : memref<64x1024xf32, #tpu.memory_space<vmem>> -> memref<16x1024xf32, #tpu.memory_space<vmem>>
    %dma_wait3A_126 = arith.constant 0 : i32
    %dma_wait3A_127 = tpu.memref_slice %arg4[%add3A_62, %dma_wait3A_126] : memref<2048x1024xf32, #tpu.memory_space<hbm>> -> memref<16x1024xf32, #tpu.memory_space<hbm>>
    %dma_wait3A_128 = arith.constant 0 : i32
    %dma_wait3A_129 = tpu.memref_slice %arg4[%add3A_62, %dma_wait3A_128] : memref<2048x1024xf32, #tpu.memory_space<hbm>> -> memref<16x1024xf32, #tpu.memory_space<hbm>>
    %dma_wait3A_130 = arith.constant 16 : i32
    %dma_wait3A_131 = arith.constant 0 : i32
    %dma_wait3A_132 = tpu.memref_slice %arg6[%dma_wait3A_130, %dma_wait3A_131] : memref<64x1024xf32, #tpu.memory_space<vmem>> -> memref<16x1024xf32, #tpu.memory_space<vmem>>
    tpu.wait_dma2 semaphore(%arg12 : memref<!tpu.dma_semaphore, #tpu.memory_space<semaphore_mem>>) src(%dma_wait3A_132 : memref<16x1024xf32, #tpu.memory_space<vmem>>) dst(%dma_wait3A_129 : memref<16x1024xf32, #tpu.memory_space<hbm>>)
    %dma_wait3A_133 = arith.constant 32 : i32
    %dma_wait3A_134 = arith.constant 0 : i32
    %dma_wait3A_135 = tpu.memref_slice %arg6[%dma_wait3A_133, %dma_wait3A_134] : memref<64x1024xf32, #tpu.memory_space<vmem>> -> memref<16x1024xf32, #tpu.memory_space<vmem>>
    %dma_wait3A_136 = arith.constant 0 : i32
    %dma_wait3A_137 = tpu.memref_slice %arg4[%add3A_82, %dma_wait3A_136] : memref<2048x1024xf32, #tpu.memory_space<hbm>> -> memref<16x1024xf32, #tpu.memory_space<hbm>>
    %dma_wait3A_138 = arith.constant 0 : i32
    %dma_wait3A_139 = tpu.memref_slice %arg4[%add3A_82, %dma_wait3A_138] : memref<2048x1024xf32, #tpu.memory_space<hbm>> -> memref<16x1024xf32, #tpu.memory_space<hbm>>
    %dma_wait3A_140 = arith.constant 32 : i32
    %dma_wait3A_141 = arith.constant 0 : i32
    %dma_wait3A_142 = tpu.memref_slice %arg6[%dma_wait3A_140, %dma_wait3A_141] : memref<64x1024xf32, #tpu.memory_space<vmem>> -> memref<16x1024xf32, #tpu.memory_space<vmem>>
    tpu.wait_dma2 semaphore(%arg13 : memref<!tpu.dma_semaphore, #tpu.memory_space<semaphore_mem>>) src(%dma_wait3A_142 : memref<16x1024xf32, #tpu.memory_space<vmem>>) dst(%dma_wait3A_139 : memref<16x1024xf32, #tpu.memory_space<hbm>>)
    %dma_wait3A_143 = arith.constant 48 : i32
    %dma_wait3A_144 = arith.constant 0 : i32
    %dma_wait3A_145 = tpu.memref_slice %arg6[%dma_wait3A_143, %dma_wait3A_144] : memref<64x1024xf32, #tpu.memory_space<vmem>> -> memref<16x1024xf32, #tpu.memory_space<vmem>>
    %dma_wait3A_146 = arith.constant 0 : i32
    %dma_wait3A_147 = tpu.memref_slice %arg4[%add3A_102, %dma_wait3A_146] : memref<2048x1024xf32, #tpu.memory_space<hbm>> -> memref<16x1024xf32, #tpu.memory_space<hbm>>
    %dma_wait3A_148 = arith.constant 0 : i32
    %dma_wait3A_149 = tpu.memref_slice %arg4[%add3A_102, %dma_wait3A_148] : memref<2048x1024xf32, #tpu.memory_space<hbm>> -> memref<16x1024xf32, #tpu.memory_space<hbm>>
    %dma_wait3A_150 = arith.constant 48 : i32
    %dma_wait3A_151 = arith.constant 0 : i32
    %dma_wait3A_152 = tpu.memref_slice %arg6[%dma_wait3A_150, %dma_wait3A_151] : memref<64x1024xf32, #tpu.memory_space<vmem>> -> memref<16x1024xf32, #tpu.memory_space<vmem>>
    tpu.wait_dma2 semaphore(%arg14 : memref<!tpu.dma_semaphore, #tpu.memory_space<semaphore_mem>>) src(%dma_wait3A_152 : memref<16x1024xf32, #tpu.memory_space<vmem>>) dst(%dma_wait3A_149 : memref<16x1024xf32, #tpu.memory_space<hbm>>)
    return
  }
}

module attributes {stable_mosaic.version = 14 : i64} {
  func.func @_argmin_block(%arg0: i32, %arg1: memref<256x1024xf32, #tpu.memory_space<vmem>>, %arg2: memref<64x1024xf32, #tpu.memory_space<vmem>>, %arg3: memref<1x1x256xi32, #tpu.memory_space<vmem>>, %arg4: memref<64x1024xbf16, #tpu.memory_space<vmem>>, %arg5: memref<64x1024xbf16, #tpu.memory_space<vmem>>, %arg6: memref<64x1xf32, #tpu.memory_space<vmem>>) attributes {dimension_semantics = [#tpu.dimension_semantics<arbitrary>], iteration_bounds = array<i64: 8>, scalar_prefetch = 0 : i64, scratch_operands = 3 : i64, tpu.core_type = #tpu.core_type<tc>, window_params = [{transform_indices = @transform_0, window_bounds = array<i64: 256, 1024>}, {pipeline_mode = #tpu.pipeline_mode<synchronous>, transform_indices = @transform_1, window_bounds = array<i64: 64, 1024>}, {transform_indices = @transform_2, window_bounds = array<i64: 1, 1, 256>}]} {
    %eq3A = arith.constant 0 : i32
    %eq3A_0 = arith.cmpi eq, %arg0, %eq3A : i32
    %convert_element_type3A = arith.extui %eq3A_0 : i1 to i32
    %cond3A = arith.constant 0 : i32
    %cond3A_1 = arith.cmpi ne, %convert_element_type3A, %cond3A : i32
    scf.if %cond3A_1 {
      %get3A_39 = arith.constant 0 : index
      %get3A_40 = arith.constant 0 : index
      %get3A_41 = vector.load %arg2[%get3A_39, %get3A_40] : memref<64x1024xf32, #tpu.memory_space<vmem>>, vector<64x1024xf32>
      %convert_element_type3A_42 = arith.truncf %get3A_41 : vector<64x1024xf32> to vector<64x1024xbf16>
      %convert_element_type3A_43 = arith.extf %convert_element_type3A_42 : vector<64x1024xbf16> to vector<64x1024xf32>
      %sub3A_44 = arith.subf %get3A_41, %convert_element_type3A_43 : vector<64x1024xf32>
      %convert_element_type3A_45 = arith.truncf %sub3A_44 : vector<64x1024xf32> to vector<64x1024xbf16>
      %swap3A_46 = arith.constant 0 : index
      %swap3A_47 = arith.constant 0 : index
      %swap3A_48 = vector.load %arg4[%swap3A_46, %swap3A_47] : memref<64x1024xbf16, #tpu.memory_space<vmem>>, vector<64x1024xbf16>
      tpu.vector_store %arg4[%swap3A_46, %swap3A_47], %convert_element_type3A_42 {strides = array<i32>} : memref<64x1024xbf16, #tpu.memory_space<vmem>>, vector<64x1024xbf16>,
      %swap3A_49 = arith.constant 0 : index
      %swap3A_50 = arith.constant 0 : index
      %swap3A_51 = vector.load %arg5[%swap3A_49, %swap3A_50] : memref<64x1024xbf16, #tpu.memory_space<vmem>>, vector<64x1024xbf16>
      tpu.vector_store %arg5[%swap3A_49, %swap3A_50], %convert_element_type3A_45 {strides = array<i32>} : memref<64x1024xbf16, #tpu.memory_space<vmem>>, vector<64x1024xbf16>,
      %mul3A_52 = arith.mulf %get3A_41, %get3A_41 : vector<64x1024xf32>
      %reduce_sum3A = arith.constant dense<0.000000e+00> : vector<64xf32>
      %reduce_sum3A_53 = vector.multi_reduction <add>, %mul3A_52, %reduce_sum3A [1] : vector<64x1024xf32> to vector<64xf32>
      %broadcast_in_dim3A_54 = vector.shape_cast %reduce_sum3A_53 : vector<64xf32> to vector<64x1xf32>
      %swap3A_55 = arith.constant 0 : index
      %swap3A_56 = arith.constant 0 : index
      %swap3A_57 = vector.load %arg6[%swap3A_55, %swap3A_56] : memref<64x1xf32, #tpu.memory_space<vmem>>, vector<64x1xf32>
      tpu.vector_store %arg6[%swap3A_55, %swap3A_56], %broadcast_in_dim3A_54 {strides = array<i32>} : memref<64x1xf32, #tpu.memory_space<vmem>>, vector<64x1xf32>,
    } else {
    }
    %get3A = arith.constant 0 : index
    %get3A_2 = arith.constant 0 : index
    %get3A_3 = vector.load %arg1[%get3A, %get3A_2] : memref<256x1024xf32, #tpu.memory_space<vmem>>, vector<256x1024xf32>
    %convert_element_type3A_4 = arith.truncf %get3A_3 : vector<256x1024xf32> to vector<256x1024xbf16>
    %convert_element_type3A_5 = arith.extf %convert_element_type3A_4 : vector<256x1024xbf16> to vector<256x1024xf32>
    %sub3A = arith.subf %get3A_3, %convert_element_type3A_5 : vector<256x1024xf32>
    %convert_element_type3A_6 = arith.truncf %sub3A : vector<256x1024xf32> to vector<256x1024xbf16>
    %get3A_7 = arith.constant 0 : index
    %get3A_8 = arith.constant 0 : index
    %get3A_9 = vector.load %arg4[%get3A_7, %get3A_8] : memref<64x1024xbf16, #tpu.memory_space<vmem>>, vector<64x1024xbf16>
    %dot_general3A = arith.constant dense<0.000000e+00> : vector<64x256xf32>
    %dot_general3A_10 = tpu.matmul %get3A_9, %convert_element_type3A_4, %dot_general3A {dimension_numbers = #tpu.dot_dimension_numbers<[1], [1], [0], [0], [0, 0, 1, 0], [], []>, transpose_lhs_hint = false} : vector<64x1024xbf16>, vector<256x1024xbf16>, vector<64x256xf32> -> vector<64x256xf32>
    %get3A_11 = arith.constant 0 : index
    %get3A_12 = arith.constant 0 : index
    %get3A_13 = vector.load %arg5[%get3A_11, %get3A_12] : memref<64x1024xbf16, #tpu.memory_space<vmem>>, vector<64x1024xbf16>
    %dot_general3A_14 = arith.constant dense<0.000000e+00> : vector<64x256xf32>
    %dot_general3A_15 = tpu.matmul %get3A_13, %convert_element_type3A_4, %dot_general3A_14 {dimension_numbers = #tpu.dot_dimension_numbers<[1], [1], [0], [0], [0, 0, 1, 0], [], []>, transpose_lhs_hint = false} : vector<64x1024xbf16>, vector<256x1024xbf16>, vector<64x256xf32> -> vector<64x256xf32>
    %get3A_16 = arith.constant 0 : index
    %get3A_17 = arith.constant 0 : index
    %get3A_18 = vector.load %arg4[%get3A_16, %get3A_17] : memref<64x1024xbf16, #tpu.memory_space<vmem>>, vector<64x1024xbf16>
    %dot_general3A_19 = arith.constant dense<0.000000e+00> : vector<64x256xf32>
    %dot_general3A_20 = tpu.matmul %get3A_18, %convert_element_type3A_6, %dot_general3A_19 {dimension_numbers = #tpu.dot_dimension_numbers<[1], [1], [0], [0], [0, 0, 1, 0], [], []>, transpose_lhs_hint = false} : vector<64x1024xbf16>, vector<256x1024xbf16>, vector<64x256xf32> -> vector<64x256xf32>
    %add3A = arith.addf %dot_general3A_15, %dot_general3A_20 : vector<64x256xf32>
    %add3A_21 = arith.addf %dot_general3A_10, %add3A : vector<64x256xf32>
    %get3A_22 = arith.constant 0 : index
    %get3A_23 = arith.constant 0 : index
    %get3A_24 = vector.load %arg6[%get3A_22, %get3A_23] : memref<64x1xf32, #tpu.memory_space<vmem>>, vector<64x1xf32>
    %mul3A = arith.constant 2.000000e+00 : f32
    %mul3A_25 = vector.broadcast %mul3A : f32 to vector<64x256xf32>
    %mul3A_26 = arith.mulf %mul3A_25, %add3A_21 : vector<64x256xf32>
    %sub3A_27 = vector.broadcast %get3A_24 : vector<64x1xf32> to vector<64x256xf32>
    %sub3A_28 = arith.subf %sub3A_27, %mul3A_26 : vector<64x256xf32>
    %reduce_min3A = arith.constant dense<0x7F800000> : vector<256xf32>
    %reduce_min3A_29 = vector.multi_reduction <minimumf>, %sub3A_28, %reduce_min3A [0] : vector<64x256xf32> to vector<256xf32>
    %broadcast_in_dim3A = vector.shape_cast %reduce_min3A_29 : vector<256xf32> to vector<1x256xf32>
    %iota3A = tpu.iota {dimensions = array<i32: 0>} : vector<64x256xi32>
    %eq3A_30 = vector.broadcast %broadcast_in_dim3A : vector<1x256xf32> to vector<64x256xf32>
    %eq3A_31 = arith.cmpf oeq, %sub3A_28, %eq3A_30 : vector<64x256xf32>
    %jit3A = arith.constant 64 : i32
    %broadcast_in_dim3A_32 = vector.broadcast %jit3A : i32 to vector<64x256xi32>
    %select_n3A = arith.select %eq3A_31, %iota3A, %broadcast_in_dim3A_32 : vector<64x256xi1>, vector<64x256xi32>
    %reduce_min3A_33 = arith.constant dense<2147483647> : vector<256xi32>
    %reduce_min3A_34 = vector.multi_reduction <minsi>, %select_n3A, %reduce_min3A_33 [0] : vector<64x256xi32> to vector<256xi32>
    %broadcast_in_dim3A_35 = vector.shape_cast %reduce_min3A_34 : vector<256xi32> to vector<1x256xi32>
    %reshape3A = vector.shape_cast %broadcast_in_dim3A_35 : vector<1x256xi32> to vector<1x1x256xi32>
    %swap3A = arith.constant 0 : index
    %swap3A_36 = arith.constant 0 : index
    %swap3A_37 = arith.constant 0 : index
    %swap3A_38 = vector.load %arg3[%swap3A, %swap3A_36, %swap3A_37] : memref<1x1x256xi32, #tpu.memory_space<vmem>>, vector<1x1x256xi32>
    tpu.vector_store %arg3[%swap3A, %swap3A_36, %swap3A_37], %reshape3A {strides = array<i32>} : memref<1x1x256xi32, #tpu.memory_space<vmem>>, vector<1x1x256xi32>,
    return
  }
  func.func @transform_0(%arg0: i32) -> (i32, i32) {
    %c0_i32 = arith.constant 0 : i32
    %c0_i32_0 = arith.constant 0 : i32
    return %arg0, %c0_i32 : i32, i32
  }
  func.func @transform_1(%arg0: i32) -> (i32, i32) {
    %c0_i32 = arith.constant 0 : i32
    %c0_i32_0 = arith.constant 0 : i32
    %c0_i32_1 = arith.constant 0 : i32
    return %c0_i32, %c0_i32_0 : i32, i32
  }
  func.func @transform_2(%arg0: i32) -> (i32, i32, i32) {
    %c0_i32 = arith.constant 0 : i32
    %c0_i32_0 = arith.constant 0 : i32
    %c0_i32_1 = arith.constant 0 : i32
    return %arg0, %c0_i32, %c0_i32_0 : i32, i32, i32
  }
}

</mosaic_0001>

<sc_bundles>
// kernel: kernel.4.cloned.1.call-start
scs
__scs_entry_jumppad:
0x0: {  	(pc) =	sbr.rel $0x88, $3  }
0x1: {  	(tag) =	ssettag $0x0;
	lr =	simm.s32 $0x1  }
0x2: {  	[smem:$0x3F9F] =	sst lr;
	_ =	strace $0xD0000000  }
0x3: {  	_ = 	snop  }
0x4: {  	_ = 	snop  }
0x5: {  	_ = 	snop  }
0x6: {  	_ = 	snop  }
0x7: {  	_ = 	snop  }
__scs_overlays_trampoline_lowered:
0x8: {  	[smem:$0x3FAE] =	sst s0  }
0x9: {  	[smem:$0x3FAF] =	sst s1  }
0xa: {  	[smem:$0x3FB0] =	sst s2  }
0xb: {  	[smem:$0x3FB1] =	sst s3  }
0xc: {  	[smem:$0x3FB2] =	sst s4  }
0xd: {  	[smem:$0x3FB3] =	sst s5  }
0xe: {  	[smem:$0x3FB4] =	sst s6  }
0xf: {  	[smem:$0x3FB5] =	sst s7  }
0x10: {  	[smem:$0x3FB6] =	sst s8  }
0x11: {  	[smem:$0x3FB7] =	sst s9;
	s0 =	simm.s32 @!p0 $0x0  }
0x12: {  	s1 =	sld [smem:$0x3F9D];
	s0 =	simm.s32 @p0 $0x1  }
0x13: {  	[smem:$0x3FB8] =	sst s0;
	s0 =	simm.s32 @!p1 $0x0  }
0x14: {  	s2 =	sld [smem:$0x3F9C];
	s0 =	simm.s32 @p1 $0x1  }
0x15: {  	[smem:$0x3FB9] =	sst s0;
	s0 =	simm.s32 @!p2 $0x0  }
0x16: {  	s3 =	sld [smem:$0x3FDB];
	s0 =	simm.s32 @p2 $0x1  }
0x17: {  	s4 =	simm.s32 $0x1BF5;
	[smem:$0x3FBB] =	sst s0  }
0x18: {  	s0 =	sld [smem:$0x3F9E];
	_ =	swait.ge [sflag:s4], $0x0  }
0x19: {  	s7 =	sld [smem:$0x3F9F]  }
0x1a: {  	s8 =	sadd.s32 $0xFFFFE003, lr  }
0x1b: {  	s9 =	sadd.s32 $0xFFFFFEF7, lr;
	s5 =	simm.s32 $0xFFFFFFFF;
	p2 =	slt.u32 s8, $0xFFFFF086  }
0x1c: {  	p1 =	slt.u32 s9, $0xF7A;
	s5 =	simm.s32 @!p2 $0x0  }
0x1d: {  	s5 =	simm.s32 @p1 $0x1;
	p0 =	seq.s32 s7, s2  }
0x1e: {  	s7 =	smul.u32 @!p0 $0xF7A, s2;
	p2 =	seq.s32 @!p0 s5, $0x0  }
0x1f: {  	s9 =	smul.u32 $0xF7A, s1;
	s8 =	simm.s32 @!p0 $0x1BF5;
	p2 =	por !p2, p0  }
0x20: {  	[sflag:s8] =	ssyncset.s32 @!p0 $0xFFFFF086;
	s6 =	sadd.s32 @!p0 s3, s7;
	s7 =	simm.s32 @!p0 $0x108  }
0x21: {  	s3 =	sadd.s32 s3, s9;
	s6 =	sadd.s32 @!p0 $0x88, s6;
	s7 =	simm.s32 @p2 $0x1082  }
0x22: {  	[simem:s7], [sflag:s8] =	dma.local @!p0 [hbm:s6], $0xF7A  }
0x23: {  	s9 =	sor.u32 $0xD0000000, s2;
	s6 =	simm.s32 $0x108;
	_ =	swait.ge @!p0 [sflag:s8], $0x0  }
0x24: {  	s3 =	sadd.s32 $0x88, s3;
	s6 =	simm.s32 @!p1 $0x1082;
	[sflag:s4] =	ssyncset.s32 $0xFFFFF086  }
0x25: {  	[simem:s6], [sflag:s4] =	dma.local [hbm:s3], $0xF7A  }
0x26: {  	[smem:$0x3F9F] =	sst s1;
	(tag) =	ssettag s2;
	_ =	strace s9  }
0x27: {  	s1 =	sld [smem:$0x3FAF]  }
0x28: {  	s2 =	sld [smem:$0x3FB0]  }
0x29: {  	s4 =	sld [smem:$0x3FB2]  }
0x2a: {  	p0 =	seq.s32 s5, $0x0;
	s5 =	sld [smem:$0x3FB3]  }
0x2b: {  	s6 =	sld [smem:$0x3FB4]  }
0x2c: {  	s7 =	sld [smem:$0x3FB5]  }
0x2d: {  	s3 =	simm.s32 $0x108;
	s8 =	sld [smem:$0x3FB6]  }
0x2e: {  	s3 =	simm.s32 @!p0 $0x1082;
	s9 =	sld [smem:$0x3FB7]  }
0x2f: {  	lr =	sadd.s32 s0, s3;
	s0 =	sld [smem:$0x3FAE]  }
0x30: {  	s3 =	sld [smem:$0x3FB1]  }
0x31: {  	[smem:$0x3FBA] =	sst s10  }
0x32: {  	s10 =	sld [smem:$0x3FB8];
	_ =	sdelay $0x3  }
0x33: {  	p0 =	seq.s32 s10, $0x1;
	s10 =	sld [smem:$0x3FBA];
	_ =	sdelay $0x3  }
0x34: {  	[smem:$0x3FBA] =	sst s10  }
0x35: {  	s10 =	sld [smem:$0x3FB9];
	_ =	sdelay $0x3  }
0x36: {  	p1 =	seq.s32 s10, $0x1;
	s10 =	sld [smem:$0x3FBA];
	_ =	sdelay $0x3  }
0x37: {  	[smem:$0x3FBA] =	sst s10  }
0x38: {  	s10 =	sld [smem:$0x3FBB]  }
0x39: {  	_ = 	snop;
	(pc) =	sbr.ind lr, $3  }
0x3a: {  	_ = 	snop  }
0x3b: {  	_ = 	snop  }
0x3c: {  	p2 =	seq.s32 s10, $0x1;
	s10 =	sld [smem:$0x3FBA]  }
0x3d: {  	_ =	shalt  }
0x3e: {  	_ =	shalt  }
0x3f: {  	_ =	shalt  }
0x40: {  	_ =	shalt  }
0x41: {  	_ =	shalt  }
0x42: {  	_ =	shalt  }
0x43: {  	_ =	shalt  }
0x44: {  	_ =	shalt  }
0x45: {  	_ =	shalt  }
0x46: {  	_ =	shalt  }
0x47: {  	_ =	shalt  }
0x48: {  	_ =	shalt  }
0x49: {  	_ =	shalt  }
0x4a: {  	_ =	shalt  }
0x4b: {  	_ =	shalt  }
0x4c: {  	_ =	shalt  }
0x4d: {  	_ =	shalt  }
0x4e: {  	_ =	shalt  }
0x4f: {  	_ =	shalt  }
0x50: {  	_ =	shalt  }
0x51: {  	_ =	shalt  }
0x52: {  	_ =	shalt  }
0x53: {  	_ =	shalt  }
0x54: {  	_ =	shalt  }
0x55: {  	_ =	shalt  }
0x56: {  	_ =	shalt  }
0x57: {  	_ =	shalt  }
0x58: {  	_ =	shalt  }
0x59: {  	_ =	shalt  }
0x5a: {  	_ =	shalt  }
0x5b: {  	_ =	shalt  }
0x5c: {  	_ =	shalt  }
0x5d: {  	_ =	shalt  }
0x5e: {  	_ =	shalt  }
0x5f: {  	_ =	shalt  }
0x60: {  	_ =	shalt  }
0x61: {  	_ =	shalt  }
0x62: {  	_ =	shalt  }
0x63: {  	_ =	shalt  }
0x64: {  	_ =	shalt  }
0x65: {  	_ =	shalt  }
0x66: {  	_ =	shalt  }
0x67: {  	_ =	shalt  }
0x68: {  	_ =	shalt  }
0x69: {  	_ =	shalt  }
0x6a: {  	_ =	shalt  }
0x6b: {  	_ =	shalt  }
0x6c: {  	_ =	shalt  }
0x6d: {  	_ =	shalt  }
0x6e: {  	_ =	shalt  }
0x6f: {  	_ =	shalt  }
0x70: {  	_ =	shalt  }
0x71: {  	_ =	shalt  }
0x72: {  	_ =	shalt  }
0x73: {  	_ =	shalt  }
0x74: {  	_ =	shalt  }
0x75: {  	_ =	shalt  }
0x76: {  	_ =	shalt  }
0x77: {  	_ =	shalt  }
0x78: {  	_ =	shalt  }
0x79: {  	_ =	shalt  }
0x7a: {  	_ =	shalt  }
0x7b: {  	_ =	shalt  }
0x7c: {  	_ =	shalt  }
0x7d: {  	_ =	shalt  }
0x7e: {  	_ =	shalt  }
0x7f: {  	_ =	shalt  }
0x80: {  	_ =	shalt  }
0x81: {  	_ =	shalt  }
0x82: {  	_ =	shalt  }
0x83: {  	_ =	shalt  }
0x84: {  	_ =	shalt  }
0x85: {  	_ =	shalt  }
0x86: {  	_ =	shalt  }
0x87: {  	_ =	shalt  }
.Lfunc_end0:
.L_simem_size_0:
called_computation_lowered:
.L_overlay_start_0:
0x88: {  	s2 =	sld [smem:$0x3FD9]  }
0x89: {  	s3 =	sld [smem:$0x3FFE];
	_ =	sdelay $0x1  }
0x8a: {  	s1 =	srdreg.scid  }
0x8b: {  	s0 =	sand.u32 $0x1, s1  }
0x8c: {  	s17 =	sshll.u32 s0, $0xA;
	s2 =	sadd.s32 s3, s2  }
0x8d: {  	s2 =	sadd.s32 s2, s17  }
0x8e: {  	[smem:$0x3FC6] =	sst s2  }
0x8f: {  	_ = 	snop  }
0x90: {  	s2 =	sld [smem:$0x3FC9]  }
0x91: {  	s18 =	sld [smem:$0x3FD0];
	(tm) =	ssettm $0x1  }
0x92: {  	s4 =	sld [smem:$0x3FFB];
	_ =	sdelay $0x3  }
0x93: {  	_ =	strace s4  }
0x94: {  	s4 =	sld [smem:$0x3FFC];
	_ =	sdelay $0x3  }
0x95: {  	_ =	strace s4  }
0x96: {  	s4 =	sld [smem:$0x3FFD];
	_ =	sdelay $0x3  }
0x97: {  	_ =	strace s4  }
0x98: {  	_ =	strace $0x8FFFFFFF  }
0x99: {  	s19 =	sld [smem:$0x3FDB];
	_ =	sdelay $0x1  }
0x9a: {  	s5 =	simm.s32 $_scs_section_size  }
0x9b: {  	s6 =	simm.s32 $_size__tile_overlayer_lowered;
	s7 =	simm.s32 $_tile_overlayer_lowered  }
0x9c: {  	s22 =	simm.s32 $0x1BFF;
	s21 =	sshll.u32 s7, $0x1;
	s4 =	sadd.s32 s5, s19  }
0x9d: {  	s8 =	simm.s32 $0x0;
	s20 =	sshll.u32 s6, $0x1;
	s6 =	sadd.s32 s21, s4  }
0x9e: {  	[timem:s8], [sflag:s22] =	dma.local [hbm:s6], s20  }
0x9f: {  	_ =	swait.ge [sflag:s22], s20  }
0xa0: {  	s5 =	ssub.s32 $0x0, s20;
	[sflag:s22] =	ssyncset.done $0x0  }
0xa1: {  	[sflag:s22] =	ssyncadd.s32 s5;
	_ =	sdelay $0x1  }
0xa2: {  	s23 =	simm.s32 $0x1B8B  }
0xa3: {  	_ =	swait.ge [sflag:s23], $0x1  }
0xa4: {  	[sflag:s23] =	ssyncset.done $0x0  }
0xa5: {  	s25 =	simm.s32 $0x1B8E;
	s24 =	sld [smem:$0x3FFE];
	[sflag:s23] =	ssyncadd.s32 $0xFFFFFFFF  }
0xa6: {  	s26 =	simm.s32 $execute0_lowered;
	[smem:$0x3FD2] =	sst s25  }
0xa7: {  	s6 =	sshll.u32 s26, $0x1;
	_ =	strace $0x80000046;
	[dreg:$0x1] =	wrdreg $0xFFFFFFFF  }
0xa8: {  	s28 =	simm.s32 $_size_execute0_lowered;
	s4 =	sadd.s32 s4, s6;
	[dreg:$0x0] =	wrdreg $0x0  }
0xa9: {  	s6 =	sshll.u32 s28, $0x1;
	[dreg:$0x2] =	wrdreg s4  }
0xaa: {  	[dreg:$0x3] =	wrdreg s6  }
0xab: {  	[dreg:$0x4] =	wrdreg $0xC0  }
0xac: {  	_ =	task [dreg:s8], $0x5FFFF  }
0xad: {  	[dreg:$0x1] =	wrdreg $0xFFFFFFFF  }
0xae: {  	[dreg:$0x0] =	wrdreg $0x60  }
0xaf: {  	[dreg:$0x2] =	wrdreg s2  }
0xb0: {  	[dreg:$0x3] =	wrdreg s24  }
0xb1: {  	[dreg:$0x4] =	wrdreg s18  }
0xb2: {  	[dreg:$0x5] =	wrdreg $0x9  }
0xb3: {  	_ =	task.clear_ibuf [dreg:s8], $0x6FFFF;
	_ =	strace $0x90000046  }
0xb4: {  	s29 =	simm.s32 $0x9;
	_ =	strace $0x80000048  }
0xb5: {  	_ =	swait.ge [sflag:s29], $0x1  }
0xb6: {  	[sflag:s29] =	ssyncadd.s32 $0xFFFFFFFF  }
0xb7: {  	_ =	strace $0x90000048  }
0xb8: {  	_ =	sfence  }
0xb9: {  	s30 =	sld [smem:$0x0];
	_ =	sdelay $0x2  }
0xba: {  	s31 =	sshll.u32 s1, $0xD;
	s1 =	sshrl.u32 s1, $0x2  }
0xbb: {  	s3 =	sand.u32 $0x4000, s31;
	s1 =	sadd.s32 s1, s30  }
0xbc: {  	s0 =	sor.u32 s3, s0;
	s1 =	sshll.u32 s1, $0x11  }
0xbd: {  	s0 =	sor.u32 s1, s0  }
0xbe: {  	s0 =	sadd.s32 $0x8F2B, s0  }
0xbf: {  	[sflag:s0] =	ssyncadd.remote.s32 $0x1  }
0xc0: {  	_ =	sfence.sel $0xFFFF  }
0xc1: {  	[dreg:$0x0] =	wrdreg $0xFFFFFFFF;
	(pc) =	sbr.abs _section_cstart, $3  }
0xc2: {  	[dreg:$0x1] =	wrdreg $0xFFFFFFFF  }
0xc3: {  	_ =	task.clear_ibuf [dreg:s8], $0x2FFFF;
	_ =	strace $0x9FFFFFFF  }
0xc4: {  	(tm) =	ssettm $0x7FFFFFFF  }
0xc5: {  	_ =	shalt  }
tec
execute0_lowered:
.L_overlay_start_1:
0x0: {  	(tag) =	ssettag $0x1  }
0x1: {  	s2 =	srdreg.scid  }
0x2: {  	s1 =	rddreg [dreg:$0x0];
	s0 =	stileid.u32;
	s2 =	sand.u32 $0x1, s2  }
0x3: {  	s4 =	rddreg [dreg:$0x1];
	s3 =	sshll.u32 s0, $0x7;
	s5 =	sshll.u32 s2, $0x6  }
0x4: {  	s6 =	rddreg [dreg:$0x2];
	s5 =	sor.u32 s5, s3;
	s3 =	simm.s32 $0x0  }
0x5: {  	s10 =	simm.s32 $0x880;
	[smem:$0x7FF] =	sst s3  }
0x6: {  	s11 =	simm.s32 $0x1080;
	_ =	strace $0x80000047;
	[dreg:$0x8] =	wrdreg s10  }
0x7: {  	s12 =	simm.s32 $0x1880;
	[dreg:$0x9] =	wrdreg s11  }
0x8: {  	s13 =	simm.s32 $0x2080;
	s14 =	simm.s32 $0x2880;
	[dreg:$0xa] =	wrdreg s12  }
0x9: {  	s15 =	simm.s32 $0x3080;
	s16 =	simm.s32 $0x3880;
	[dreg:$0xb] =	wrdreg s13  }
0xa: {  	s17 =	simm.s32 $0x4880;
	s18 =	simm.s32 $0x5080;
	[dreg:$0xc] =	wrdreg s14  }
0xb: {  	s20 =	simm.s32 $0x5880;
	s21 =	simm.s32 $0x6080;
	[dreg:$0xd] =	wrdreg s15  }
0xc: {  	s22 =	simm.s32 $0x6880;
	s23 =	simm.s32 $0x8880;
	[dreg:$0xe] =	wrdreg s16  }
0xd: {  	s24 =	simm.s32 $0x9080;
	s25 =	simm.s32 $0x9880;
	[dreg:$0xf] =	wrdreg s17  }
0xe: {  	s26 =	simm.s32 $0xA080;
	s28 =	simm.s32 $0x4;
	[dreg:$0x10] =	wrdreg s18  }
0xf: {  	s29 =	simm.s32 $0x5;
	s30 =	simm.s32 $0x6;
	[dreg:$0x11] =	wrdreg s20  }
0x10: {  	s31 =	simm.s32 $0x7;
	s2 =	ssub.s32 $0x2, s2;
	[dreg:$0x12] =	wrdreg s21  }
0x11: {  	s19 =	sshrl.u32 s2, $0x1;
	s7 =	sshrl.u32 s5, $0x3;
	[dreg:$0x13] =	wrdreg s22  }
0x12: {  	s5 =	sshll.u32 s5, $0x7;
	s2 =	ssub.s32 s2, s19;
	[dreg:$0x16] =	wrdreg s23  }
0x13: {  	s19 =	simm.s32 $0xD880;
	s4 =	sadd.s32 s7, s4;
	[dreg:$0x17] =	wrdreg s24  }
0x14: {  	s10 =	simm.s32 $0x80;
	s11 =	simm.s32 $0x4080;
	[dreg:$0x18] =	wrdreg s25  }
0x15: {  	s12 =	simm.s32 $0x8080;
	[dreg:$0x19] =	wrdreg s26;
	s14 =	simm.s32 $0xB080  }
0x16: {  	s15 =	simm.s32 $0xB880;
	s16 =	simm.s32 $0xC080;
	s17 =	simm.s32 $0xC880  }
0x17: {  	s18 =	simm.s32 $0xD080;
	s20 =	simm.s32 $0xE080;
	s21 =	simm.s32 $0xE880  }
0x18: {  	s22 =	simm.s32 $0xF080;
	s23 =	simm.s32 $0xF880;
	s24 =	simm.s32 $0x1  }
0x19: {  	s25 =	simm.s32 $0x2;
	s7 =	sadd.s32 $0xA00, s4;
	s4 =	sadd.s32 s6, s5  }
0x1a: {  	s26 =	simm.s32 $0x3;
	[dreg:$0x4] =	wrdreg s7;
	s5 =	sadd.s32 $0x800, s4  }
0x1b: {  	s6 =	sadd.s32 $0x200, s1;
	s8 =	sadd.s32 $0x1000, s4;
	[dreg:$0x5] =	wrdreg s5  }
0x1c: {  	s9 =	sadd.s32 $0x1800, s4;
	s7 =	sadd.s32 $0x300, s1;
	[dreg:$0x6] =	wrdreg s8  }
0x1d: {  	v2 =	vlaneseq.u32;
	[dreg:$0x7] =	wrdreg s9;
	s5 =	sadd.s32 $0x100, s1;
	s8 =	simm.s32 $0x7080  }
0x1e: {  	vm0 =	vmmov $0xffff;
	v1 =	vshrl.u32 v2, $0x3;
	s9 =	simm.s32 $0x7880;
	[dreg:$0x14] =	wrdreg s8;
	s8 =	smax.u32 s2, $0x1  }
0x1f: {  	v0 =	vand.u32 $0x7, v2;
	v2 =	vor.u32 $0x8, v2;
	v1 =	vmul.u32 $0x8, v1;
	[dreg:$0x15] =	wrdreg s9;
	s9 =	simm.s32 $0x9;
	s2 =	simm.s32 $0x8  }
.LBB2_1:
0x20: {  	s0 =	rddreg [dreg:$0x4]  }
0x21: {  	[tilespmem:s3], [sflag:$0x9] =	stream.linear.gather [hbm4b:s0+s3], $0x40, $0x38;
	[tilespmem:$0x10080] =	vst v63  }
0x22: {  	_ =	swait.ge [sflag:s9], $0x40  }
0x23: {  	[sflag:s9] =	ssyncset.done $0x0  }
0x24: {  	[sflag:s9] =	ssyncadd.s32 $0xFFFFFFC0  }
0x25: {  	v3 =	vld [tilespmem:$0x0];
	_ =	sdelay $0x4  }
0x26: {  	v4 =	vshll.u32 v3, $0x3  }
0x27: {  	v3 =	vand.u32 $0x7, v3;
	v4 =	vand.u32 $0xFFFFFFC0, v4  }
0x28: {  	v3 =	vor.u32 v3, v4  }
0x29: {  	v4 =	vperm.xlane v3, v0;
	_ =	sdelay $0x1  }
0x2a: {  	v4 =	vadd.s32 v1, v4;
	_ =	sdelay $0x4  }
0x2b: {  	[tilespmem:s10], [sflag:$0x1] =	stream.indirect_vreg.gather [hbm4b:s1+s3], $0x80, v4, vm0, $0xb8;
	[tilespmem:$0x10080] =	vst v63  }
0x2c: {  	s0 =	rddreg [dreg:$0x8];
	v3 =	vperm.xlane v3, v2  }
0x2d: {  	[tilespmem:s0], [sflag:$0x1] =	stream.indirect_vreg.gather [hbm4b:s5+s3], $0x80, v4, vm0, $0xb8;
	[tilespmem:$0x10080] =	vst v63  }
0x2e: {  	s13 =	rddreg [dreg:$0x9];
	v3 =	vadd.s32 v1, v3  }
0x2f: {  	[tilespmem:s13], [sflag:$0x1] =	stream.indirect_vreg.gather [hbm4b:s6+s3], $0x80, v4, vm0, $0xb8;
	[tilespmem:$0x10080] =	vst v63  }
0x30: {  	s0 =	rddreg [dreg:$0xa]  }
0x31: {  	[tilespmem:s0], [sflag:$0x1] =	stream.indirect_vreg.gather [hbm4b:s7+s3], $0x80, v4, vm0, $0xb8;
	[tilespmem:$0x10080] =	vst v63  }
0x32: {  	s13 =	rddreg [dreg:$0xb]  }
0x33: {  	[tilespmem:s13], [sflag:$0x1] =	stream.indirect_vreg.gather [hbm4b:s1+s3], $0x80, v3, vm0, $0xb8;
	[tilespmem:$0x10080] =	vst v63  }
0x34: {  	s0 =	rddreg [dreg:$0xc]  }
0x35: {  	[tilespmem:s0], [sflag:$0x1] =	stream.indirect_vreg.gather [hbm4b:s5+s3], $0x80, v3, vm0, $0xb8;
	[tilespmem:$0x10080] =	vst v63  }
0x36: {  	s13 =	rddreg [dreg:$0xd]  }
0x37: {  	[tilespmem:s13], [sflag:$0x1] =	stream.indirect_vreg.gather [hbm4b:s6+s3], $0x80, v3, vm0, $0xb8;
	[tilespmem:$0x10080] =	vst v63  }
0x38: {  	s0 =	rddreg [dreg:$0xe]  }
0x39: {  	[tilespmem:s0], [sflag:$0x1] =	stream.indirect_vreg.gather [hbm4b:s7+s3], $0x80, v3, vm0, $0xb8;
	[tilespmem:$0x10080] =	vst v63  }
0x3a: {  	v3 =	vld [tilespmem:$0x10];
	_ =	sdelay $0x4  }
0x3b: {  	v61 =	vshll.u32 v3, $0x3  }
0x3c: {  	v3 =	vand.u32 $0x7, v3;
	v4 =	vand.u32 $0xFFFFFFC0, v61  }
0x3d: {  	v3 =	vor.u32 v3, v4  }
0x3e: {  	v4 =	vperm.xlane v3, v0;
	_ =	sdelay $0x1  }
0x3f: {  	v4 =	vadd.s32 v1, v4;
	_ =	sdelay $0x4  }
0x40: {  	[tilespmem:s11], [sflag:$0x2] =	stream.indirect_vreg.gather [hbm4b:s1+s3], $0x80, v4, vm0, $0xb8;
	[tilespmem:$0x10080] =	vst v63  }
0x41: {  	s0 =	rddreg [dreg:$0xf];
	v3 =	vperm.xlane v3, v2  }
0x42: {  	[tilespmem:s0], [sflag:$0x2] =	stream.indirect_vreg.gather [hbm4b:s5+s3], $0x80, v4, vm0, $0xb8;
	[tilespmem:$0x10080] =	vst v63  }
0x43: {  	s13 =	rddreg [dreg:$0x10];
	v3 =	vadd.s32 v1, v3  }
0x44: {  	[tilespmem:s13], [sflag:$0x2] =	stream.indirect_vreg.gather [hbm4b:s6+s3], $0x80, v4, vm0, $0xb8;
	[tilespmem:$0x10080] =	vst v63  }
0x45: {  	s0 =	rddreg [dreg:$0x11]  }
0x46: {  	[tilespmem:s0], [sflag:$0x2] =	stream.indirect_vreg.gather [hbm4b:s7+s3], $0x80, v4, vm0, $0xb8;
	[tilespmem:$0x10080] =	vst v63  }
0x47: {  	s13 =	rddreg [dreg:$0x12]  }
0x48: {  	[tilespmem:s13], [sflag:$0x2] =	stream.indirect_vreg.gather [hbm4b:s1+s3], $0x80, v3, vm0, $0xb8;
	[tilespmem:$0x10080] =	vst v63  }
0x49: {  	s0 =	rddreg [dreg:$0x13]  }
0x4a: {  	[tilespmem:s0], [sflag:$0x2] =	stream.indirect_vreg.gather [hbm4b:s5+s3], $0x80, v3, vm0, $0xb8;
	[tilespmem:$0x10080] =	vst v63  }
0x4b: {  	s13 =	rddreg [dreg:$0x14]  }
0x4c: {  	[tilespmem:s13], [sflag:$0x2] =	stream.indirect_vreg.gather [hbm4b:s6+s3], $0x80, v3, vm0, $0xb8;
	[tilespmem:$0x10080] =	vst v63  }
0x4d: {  	s0 =	rddreg [dreg:$0x15]  }
0x4e: {  	[tilespmem:s0], [sflag:$0x2] =	stream.indirect_vreg.gather [hbm4b:s7+s3], $0x80, v3, vm0, $0xb8;
	[tilespmem:$0x10080] =	vst v63  }
0x4f: {  	v3 =	vld [tilespmem:$0x20];
	_ =	sdelay $0x4  }
0x50: {  	v62 =	vshll.u32 v3, $0x3  }
0x51: {  	v3 =	vand.u32 $0x7, v3;
	v4 =	vand.u32 $0xFFFFFFC0, v62  }
0x52: {  	v3 =	vor.u32 v3, v4  }
0x53: {  	v4 =	vperm.xlane v3, v0;
	_ =	sdelay $0x1  }
0x54: {  	v4 =	vadd.s32 v1, v4;
	_ =	sdelay $0x4  }
0x55: {  	[tilespmem:s12], [sflag:$0x3] =	stream.indirect_vreg.gather [hbm4b:s1+s3], $0x80, v4, vm0, $0xb8;
	[tilespmem:$0x10080] =	vst v63  }
0x56: {  	s0 =	rddreg [dreg:$0x16];
	v3 =	vperm.xlane v3, v2  }
0x57: {  	[tilespmem:s0], [sflag:$0x3] =	stream.indirect_vreg.gather [hbm4b:s5+s3], $0x80, v4, vm0, $0xb8;
	[tilespmem:$0x10080] =	vst v63  }
0x58: {  	s13 =	rddreg [dreg:$0x17];
	v3 =	vadd.s32 v1, v3  }
0x59: {  	[tilespmem:s13], [sflag:$0x3] =	stream.indirect_vreg.gather [hbm4b:s6+s3], $0x80, v4, vm0, $0xb8;
	[tilespmem:$0x10080] =	vst v63  }
0x5a: {  	s0 =	rddreg [dreg:$0x18]  }
0x5b: {  	[tilespmem:s0], [sflag:$0x3] =	stream.indirect_vreg.gather [hbm4b:s7+s3], $0x80, v4, vm0, $0xb8;
	[tilespmem:$0x10080] =	vst v63  }
0x5c: {  	s13 =	rddreg [dreg:$0x19]  }
0x5d: {  	[tilespmem:s13], [sflag:$0x3] =	stream.indirect_vreg.gather [hbm4b:s1+s3], $0x80, v3, vm0, $0xb8;
	[tilespmem:$0x10080] =	vst v63  }
0x5e: {  	s13 =	simm.s32 $0xA880  }
0x5f: {  	[tilespmem:s13], [sflag:$0x3] =	stream.indirect_vreg.gather [hbm4b:s5+s3], $0x80, v3, vm0, $0xb8;
	[tilespmem:$0x10080] =	vst v63  }
0x60: {  	_ = 	snop  }
0x61: {  	[tilespmem:s14], [sflag:$0x3] =	stream.indirect_vreg.gather [hbm4b:s6+s3], $0x80, v3, vm0, $0xb8;
	[tilespmem:$0x10080] =	vst v63  }
0x62: {  	_ = 	snop  }
0x63: {  	[tilespmem:s15], [sflag:$0x3] =	stream.indirect_vreg.gather [hbm4b:s7+s3], $0x80, v3, vm0, $0xb8;
	[tilespmem:$0x10080] =	vst v63  }
0x64: {  	v3 =	vld [tilespmem:$0x30];
	_ =	sdelay $0x4  }
0x65: {  	v63 =	vshll.u32 v3, $0x3  }
0x66: {  	v3 =	vand.u32 $0x7, v3;
	v4 =	vand.u32 $0xFFFFFFC0, v63  }
0x67: {  	v3 =	vor.u32 v3, v4  }
0x68: {  	v4 =	vperm.xlane v3, v0;
	_ =	sdelay $0x1  }
0x69: {  	v4 =	vadd.s32 v1, v4;
	_ =	sdelay $0x4  }
0x6a: {  	[tilespmem:s16], [sflag:$0x4] =	stream.indirect_vreg.gather [hbm4b:s1+s3], $0x80, v4, vm0, $0xb8;
	[tilespmem:$0x10080] =	vst v63  }
0x6b: {  	v3 =	vperm.xlane v3, v2  }
0x6c: {  	[tilespmem:s17], [sflag:$0x4] =	stream.indirect_vreg.gather [hbm4b:s5+s3], $0x80, v4, vm0, $0xb8;
	[tilespmem:$0x10080] =	vst v63  }
0x6d: {  	v3 =	vadd.s32 v1, v3  }
0x6e: {  	[tilespmem:s18], [sflag:$0x4] =	stream.indirect_vreg.gather [hbm4b:s6+s3], $0x80, v4, vm0, $0xb8;
	[tilespmem:$0x10080] =	vst v63  }
0x6f: {  	_ = 	snop  }
0x70: {  	[tilespmem:s19], [sflag:$0x4] =	stream.indirect_vreg.gather [hbm4b:s7+s3], $0x80, v4, vm0, $0xb8;
	[tilespmem:$0x10080] =	vst v63  }
0x71: {  	_ = 	snop  }
0x72: {  	[tilespmem:s20], [sflag:$0x4] =	stream.indirect_vreg.gather [hbm4b:s1+s3], $0x80, v3, vm0, $0xb8;
	[tilespmem:$0x10080] =	vst v63  }
0x73: {  	_ = 	snop  }
0x74: {  	[tilespmem:s21], [sflag:$0x4] =	stream.indirect_vreg.gather [hbm4b:s5+s3], $0x80, v3, vm0, $0xb8;
	[tilespmem:$0x10080] =	vst v63  }
0x75: {  	_ = 	snop  }
0x76: {  	[tilespmem:s22], [sflag:$0x4] =	stream.indirect_vreg.gather [hbm4b:s6+s3], $0x80, v3, vm0, $0xb8;
	[tilespmem:$0x10080] =	vst v63  }
0x77: {  	_ = 	snop  }
0x78: {  	[tilespmem:s23], [sflag:$0x4] =	stream.indirect_vreg.gather [hbm4b:s7+s3], $0x80, v3, vm0, $0xb8;
	[tilespmem:$0x10080] =	vst v63  }
0x79: {  	_ =	swait.ge [sflag:s24], $0x4000  }
0x7a: {  	[sflag:s24] =	ssyncset.done $0x0  }
0x7b: {  	[sflag:s24] =	ssyncadd.s32 $0xFFFFC000  }
0x7c: {  	[hbm4b:s4+s3] =	stream.linear.scatter [tilespmem:s10], [sflag:$0x5], $0x4000, $0x38;
	[tilespmem:$0x10080] =	vst v63  }
0x7d: {  	_ =	swait.ge [sflag:s25], $0x4000  }
0x7e: {  	[sflag:s25] =	ssyncset.done $0x0  }
0x7f: {  	s13 =	rddreg [dreg:$0x5];
	[sflag:s25] =	ssyncadd.s32 $0xFFFFC000  }
0x80: {  	[hbm4b:s13+s3] =	stream.linear.scatter [tilespmem:s11], [sflag:$0x6], $0x4000, $0x38;
	[tilespmem:$0x10080] =	vst v63  }
0x81: {  	_ =	swait.ge [sflag:s26], $0x4000  }
0x82: {  	[sflag:s26] =	ssyncset.done $0x0  }
0x83: {  	s13 =	rddreg [dreg:$0x6];
	[sflag:s26] =	ssyncadd.s32 $0xFFFFC000  }
0x84: {  	[hbm4b:s13+s3] =	stream.linear.scatter [tilespmem:s12], [sflag:$0x7], $0x4000, $0x38;
	[tilespmem:$0x10080] =	vst v63  }
0x85: {  	_ =	swait.ge [sflag:s28], $0x4000  }
0x86: {  	[sflag:s28] =	ssyncset.done $0x0  }
0x87: {  	s13 =	rddreg [dreg:$0x7];
	[sflag:s28] =	ssyncadd.s32 $0xFFFFC000  }
0x88: {  	[hbm4b:s13+s3] =	stream.linear.scatter [tilespmem:s16], [sflag:$0x8], $0x4000, $0x38;
	[tilespmem:$0x10080] =	vst v63  }
0x89: {  	_ =	swait.ge [sflag:s29], $0x4000  }
0x8a: {  	[sflag:s29] =	ssyncset.done $0x0  }
0x8b: {  	[sflag:s29] =	ssyncadd.s32 $0xFFFFC000  }
0x8c: {  	_ =	swait.ge [sflag:s30], $0x4000  }
0x8d: {  	[sflag:s30] =	ssyncset.done $0x0  }
0x8e: {  	[sflag:s30] =	ssyncadd.s32 $0xFFFFC000  }
0x8f: {  	p0 =	sne.s32 s8, $0x1;
	_ =	swait.ge [sflag:s31], $0x4000  }
.Ltmp0:
0x90: {  	[sflag:s31] =	ssyncset.done $0x0;
	(pc) =	sbr.rel @p0 .LBB2_1-.Ltmp0, $4  }
0x91: {  	[sflag:s31] =	ssyncadd.s32 $0xFFFFC000  }
0x92: {  	_ =	swait.ge [sflag:s2], $0x4000  }
0x93: {  	[sflag:s2] =	ssyncset.done $0x0  }
0x94: {  	s8 =	sadd.s32 $0xFFFFFFFF, s8;
	[sflag:s2] =	ssyncadd.s32 $0xFFFFC000  }
0x95: {  	_ =	sfence.sel $0x180000  }
0x96: {  	[bflag:$0x0] =	sbarrier.arrive $0xFFFF  }
0x97: {  	_ =	strace $0x90000047  }
0x98: {  	s0 =	stileid.u32;
	[bflag:$0x2] =	sbarrier.arrive $0xFFFF  }
0x99: {  	p0 =	sne.s32 s0, $0x0;
	s0 =	rddreg [dreg:$0x3]  }
0x9a: {  	s0 =	sadd.s32 @!p0 $0x100000, s0  }
0x9b: {  	[sflag:s0] =	ssyncadd.tile.s32 @!p0 $0x1;
	_ =	shalt  }
.Lfunc_end2:
_tile_overlayer_lowered:
.L_overlay_start_2:
0x9c: {  	(tag) =	ssettag $0x2  }
0x9d: {  	s0 =	rddreg [dreg:$0x0];
	s2 =	stileid.u32  }
0x9e: {  	s1 =	rddreg [dreg:$0x1];
	p0 =	sne.s32 s2, $0x0  }
0x9f: {  	s3 =	rddreg [dreg:$0x2];
	[bflag:$0x3] =	sbarrier.arrive $0xFFFF;
	s2 =	simm.s32 @!p0 $0x1C09  }
0xa0: {  	[timem:s3], [sflag:s2] =	dma.local @!p0 [hbm:s0], s1  }
0xa1: {  	s0 =	simm.s32 @!p0 $0x9  }
0xa2: {  	_ =	swait.ge @!p0 [sflag:s0], s1  }
0xa3: {  	s1 =	ssub.s32 @!p0 $0x0, s1;
	[sflag:s0] =	ssyncset.done @!p0 $0x0  }
0xa4: {  	[sflag:s0] =	ssyncadd.s32 @!p0 s1  }
0xa5: {  	[bflag:$0x3] =	sbarrier.arrive $0xFFFF  }
0xa6: {  	_ =	shalt  }

</sc_bundles>
